<compile_context>
chip_gen: v7x
topology: tpu7x:2x2x1
jax: 0.10.2.dev20260603
libtpu: 0.0.44.dev20260713+nightly
codegen_flags: <defaults>
</compile_context>

<pallas_src>
import functools

import jax
import jax.numpy as jnp
from jax import lax
from jax.experimental import pallas as pl
from jax.experimental.pallas import tpu as pltpu
from jax.experimental.pallas import tpu_sc as plsc

_NC = 2
_NS = 16
_NW = _NC * _NS
_CH = 128
_L = 16


@functools.lru_cache(maxsize=None)
def _make_gather(B, V, D):
    bpw = B // _NW
    nchunk = bpw // _CH
    nd_blk = D // 8
    blk = 8 * bpw
    mesh = plsc.VectorSubcoreMesh(core_axis_name="c", subcore_axis_name="s")

    @functools.partial(
        pl.kernel,
        mesh=mesh,
        out_type=jax.ShapeDtypeStruct((B * D,), jnp.float32),
        scratch_types=[
            pltpu.VMEM((nchunk, _CH), jnp.int32),
            pltpu.VMEM((nchunk, _CH, D), jnp.float32),
            pltpu.VMEM((bpw * D,), jnp.float32),
            pltpu.SemaphoreType.DMA,
            pltpu.SemaphoreType.DMA,
        ],
        compiler_params=pltpu.CompilerParams(
            use_tc_tiling_on_sc=False,
            needs_layout_passes=False,
            skip_device_barrier=True,
            disable_semaphore_checks=True,
            allow_input_fusion=[False, True],
        ),
    )
    def gather(idx_hbm, table_hbm, out_hbm, idx_v, rows_v, phys_v, gsem, osem):
        wid = lax.axis_index("s") * _NC + lax.axis_index("c")
        base = wid * bpw
        pltpu.sync_copy(idx_hbm.at[wid], idx_v)
        gathers = [
            pltpu.async_copy(table_hbm.at[idx_v.at[j]], rows_v.at[j], gsem)
            for j in range(nchunk)
        ]
        for g in gathers:
            g.wait()

        lanes = lax.iota(jnp.int32, _L)

        def permute(t, _):
            d_in = t % 8
            b_blk = (t // 8) % nchunk
            d_blk = t // (8 * nchunk)
            d = lanes * 0 + (d_blk * 8 + d_in)
            jvec = lanes * 0 + b_blk
            for h in range(_CH // _L):
                vals = plsc.load_gather(rows_v, [jvec, h * _L + lanes, d])
                phys_v[pl.ds(t * _CH + h * _L, _L)] = vals
            return 0

        lax.fori_loop(0, nd_blk * nchunk * 8, permute, 0)

        stores = [
            pltpu.async_copy(
                phys_v.at[pl.ds(d_blk * blk, blk)],
                out_hbm.at[
                    pl.ds((d_blk * (B // _CH) + wid * nchunk) * 1024, blk)
                ],
                osem,
            )
            for d_blk in range(nd_blk)
        ]
        for s in stores:
            s.wait()

    return gather


def kernel(step, table):
    B = step.shape[0]
    V, D = table.shape
    idx = step.reshape(_NW, B // (_NW * _CH), _CH).astype(jnp.int32)
    flat_out = _make_gather(B, V, D)(idx, table)
    return (
        flat_out.reshape(D // 8, B // 128, 8, 128)
        .transpose(1, 3, 0, 2)
        .reshape(B, D)
    )

# --- scband reference (transcript-rebuilt; emitter-appended) ---
"""Pipeline reference for scband-step-embedding-net-14791867367851 (READ-ONLY COPY).

The authoritative reference and input builder live on the scoring server;
editing this copy changes nothing except your own understanding.
"""

import jax, jax.numpy as jnp
import numpy as np

NUM_EMBEDDINGS = 1000000
EMBEDDING_DIM = 32
BATCH = 16384

def setup_inputs(seed: int = 0) -> dict:
    key = jax.random.key(seed)
    k1, k2 = jax.random.split(key)
    step = jax.random.randint(k1, (BATCH, 1), 0, NUM_EMBEDDINGS, dtype=jnp.int64 if jax.config.jax_enable_x64 else jnp.int32)
    table = jax.random.normal(k2, (NUM_EMBEDDINGS, EMBEDDING_DIM), dtype=jnp.float32)
    return {"step": step, "table": table}

def reference(step, table):
    # StepEmbeddingNet.forward: squeeze last dim, then embedding lookup
    idx = jnp.squeeze(step, axis=-1)
    return jnp.take(table, idx, axis=0)

if __name__ == "__main__":
    import jax
    _d = setup_inputs()
    print(jax.jit(kernel)(*tuple(_d.values())))

</pallas_src>

<mosaic_0001>
#map = affine_map<(d0, d1) -> (0, 0, 0)>
#map1 = affine_map<(d0, d1) -> (0, 0)>
#map2 = affine_map<(d0, d1) -> (0)>
module attributes {stable_mosaic.version = 14 : i64} {
  func.func @gather(%arg0: i32, %arg1: i32, %arg2: memref<32x4x128xi32, #tpu.memory_space<hbm>>, %arg3: memref<1000000x32xf32, #tpu.memory_space<hbm>>, %arg4: memref<524288xf32, #tpu.memory_space<hbm>>, %arg5: memref<4x128xi32, #tpu.memory_space<vmem>>, %arg6: memref<4x128x32xf32, #tpu.memory_space<vmem>>, %arg7: memref<16384xf32, #tpu.memory_space<vmem>>, %arg8: memref<!tpu.dma_semaphore, #tpu.memory_space<semaphore_mem>>, %arg9: memref<!tpu.dma_semaphore, #tpu.memory_space<semaphore_mem>>) attributes {dimension_semantics = [#tpu.dimension_semantics<core_parallel>, #tpu.dimension_semantics<subcore_parallel>], iteration_bounds = array<i64: 2, 16>, scalar_prefetch = 0 : i64, scratch_operands = 5 : i64, tpu.core_type = #tpu.core_type<sc_vector_subcore>, window_params = [{transform_indices = #map}, {transform_indices = #map1}, {transform_indices = #map2}]} {
    %mul3A = arith.constant 2 : i32
    %mul3A_0 = arith.muli %arg1, %mul3A : i32
    %add3A = arith.addi %mul3A_0, %arg0 : i32
    %mul3A_1 = arith.constant 512 : i32
    %mul3A_2 = arith.muli %add3A, %mul3A_1 : i32
    "tpu.region"() ({
      %run_scoped3A = tpu.sem_alloc : memref<!tpu.dma_semaphore, #tpu.memory_space<semaphore_mem>>
      %dma_start3A_175 = arith.constant 0 : i32
      %dma_start3A_176 = arith.constant 0 : i32
      %dma_start3A_177 = tpu.memref_slice %arg2[%add3A, %dma_start3A_175, %dma_start3A_176] : memref<32x4x128xi32, #tpu.memory_space<hbm>> -> memref<1x4x128xi32, #tpu.memory_space<hbm>>
      %dma_start3A_178 = tpu.memref_squeeze %dma_start3A_177 : memref<1x4x128xi32, #tpu.memory_space<hbm>> -> memref<4x128xi32, #tpu.memory_space<hbm>>
      %dma_start3A_179 = arith.constant 0 : i32
      %dma_start3A_180 = arith.constant 0 : i32
      %dma_start3A_181 = tpu.memref_slice %arg2[%add3A, %dma_start3A_179, %dma_start3A_180] : memref<32x4x128xi32, #tpu.memory_space<hbm>> -> memref<1x4x128xi32, #tpu.memory_space<hbm>>
      %dma_start3A_182 = tpu.memref_squeeze %dma_start3A_181 : memref<1x4x128xi32, #tpu.memory_space<hbm>> -> memref<4x128xi32, #tpu.memory_space<hbm>>
      tpu.enqueue_dma source(%dma_start3A_182 : memref<4x128xi32, #tpu.memory_space<hbm>>) target(%arg5 : memref<4x128xi32, #tpu.memory_space<vmem>>) target_semaphore(%run_scoped3A : memref<!tpu.dma_semaphore, #tpu.memory_space<semaphore_mem>>)
      %dma_wait3A_183 = arith.constant 0 : i32
      %dma_wait3A_184 = arith.constant 0 : i32
      %dma_wait3A_185 = tpu.memref_slice %arg2[%add3A, %dma_wait3A_183, %dma_wait3A_184] : memref<32x4x128xi32, #tpu.memory_space<hbm>> -> memref<1x4x128xi32, #tpu.memory_space<hbm>>
      %dma_wait3A_186 = tpu.memref_squeeze %dma_wait3A_185 : memref<1x4x128xi32, #tpu.memory_space<hbm>> -> memref<4x128xi32, #tpu.memory_space<hbm>>
      %dma_wait3A_187 = arith.constant 0 : i32
      %dma_wait3A_188 = arith.constant 0 : i32
      %dma_wait3A_189 = tpu.memref_slice %arg2[%add3A, %dma_wait3A_187, %dma_wait3A_188] : memref<32x4x128xi32, #tpu.memory_space<hbm>> -> memref<1x4x128xi32, #tpu.memory_space<hbm>>
      %dma_wait3A_190 = tpu.memref_squeeze %dma_wait3A_189 : memref<1x4x128xi32, #tpu.memory_space<hbm>> -> memref<4x128xi32, #tpu.memory_space<hbm>>
      tpu.wait_dma2 semaphore(%run_scoped3A : memref<!tpu.dma_semaphore, #tpu.memory_space<semaphore_mem>>) src(%dma_wait3A_190 : memref<4x128xi32, #tpu.memory_space<hbm>>) dst(%arg5 : memref<4x128xi32, #tpu.memory_space<vmem>>)
      tpu.yield
    }) : () -> ()
    %dma_start3A = arith.constant 0 : i32
    %dma_start3A_3 = arith.constant 0 : i32
    %dma_start3A_4 = arith.constant 0 : i32
    %dma_start3A_5 = arith.constant 0 : i32
    %dma_start3A_6 = tpu.memref_slice %arg6[%dma_start3A_3, %dma_start3A_4, %dma_start3A_5] : memref<4x128x32xf32, #tpu.memory_space<vmem>> -> memref<1x128x32xf32, #tpu.memory_space<vmem>>
    %dma_start3A_7 = tpu.memref_squeeze %dma_start3A_6 : memref<1x128x32xf32, #tpu.memory_space<vmem>> -> memref<128x32xf32, #tpu.memory_space<vmem>>
    %dma_start3A_8 = arith.constant 0 : i32
    %dma_start3A_9 = tpu.memref_slice %arg5[%dma_start3A, %dma_start3A_8] : memref<4x128xi32, #tpu.memory_space<vmem>> -> memref<1x128xi32, #tpu.memory_space<vmem>>
    %dma_start3A_10 = tpu.memref_squeeze %dma_start3A_9 : memref<1x128xi32, #tpu.memory_space<vmem>> -> memref<128xi32, #tpu.memory_space<vmem>>
    %dma_start3A_11 = arith.constant 0 : i32
    %dma_start3A_12 = arith.constant 0 : i32
    %dma_start3A_13 = tpu.memref_slice %arg3[%dma_start3A_11, %dma_start3A_12] : memref<1000000x32xf32, #tpu.memory_space<hbm>> -> memref<1000000x32xf32, #tpu.memory_space<hbm>>
    tpu.enqueue_indirect_dma source(%dma_start3A_13 : memref<1000000x32xf32, #tpu.memory_space<hbm>>) target(%dma_start3A_7 : memref<128x32xf32, #tpu.memory_space<vmem>>) offsets(%dma_start3A_10 : memref<128xi32, #tpu.memory_space<vmem>>) semaphore(%arg8 : memref<!tpu.dma_semaphore, #tpu.memory_space<semaphore_mem>>)
    %dma_start3A_14 = arith.constant 1 : i32
    %dma_start3A_15 = arith.constant 1 : i32
    %dma_start3A_16 = arith.constant 0 : i32
    %dma_start3A_17 = arith.constant 0 : i32
    %dma_start3A_18 = tpu.memref_slice %arg6[%dma_start3A_15, %dma_start3A_16, %dma_start3A_17] : memref<4x128x32xf32, #tpu.memory_space<vmem>> -> memref<1x128x32xf32, #tpu.memory_space<vmem>>
    %dma_start3A_19 = tpu.memref_squeeze %dma_start3A_18 : memref<1x128x32xf32, #tpu.memory_space<vmem>> -> memref<128x32xf32, #tpu.memory_space<vmem>>
    %dma_start3A_20 = arith.constant 0 : i32
    %dma_start3A_21 = tpu.memref_slice %arg5[%dma_start3A_14, %dma_start3A_20] : memref<4x128xi32, #tpu.memory_space<vmem>> -> memref<1x128xi32, #tpu.memory_space<vmem>>
    %dma_start3A_22 = tpu.memref_squeeze %dma_start3A_21 : memref<1x128xi32, #tpu.memory_space<vmem>> -> memref<128xi32, #tpu.memory_space<vmem>>
    %dma_start3A_23 = arith.constant 0 : i32
    %dma_start3A_24 = arith.constant 0 : i32
    %dma_start3A_25 = tpu.memref_slice %arg3[%dma_start3A_23, %dma_start3A_24] : memref<1000000x32xf32, #tpu.memory_space<hbm>> -> memref<1000000x32xf32, #tpu.memory_space<hbm>>
    tpu.enqueue_indirect_dma source(%dma_start3A_25 : memref<1000000x32xf32, #tpu.memory_space<hbm>>) target(%dma_start3A_19 : memref<128x32xf32, #tpu.memory_space<vmem>>) offsets(%dma_start3A_22 : memref<128xi32, #tpu.memory_space<vmem>>) semaphore(%arg8 : memref<!tpu.dma_semaphore, #tpu.memory_space<semaphore_mem>>)
    %dma_start3A_26 = arith.constant 2 : i32
    %dma_start3A_27 = arith.constant 2 : i32
    %dma_start3A_28 = arith.constant 0 : i32
    %dma_start3A_29 = arith.constant 0 : i32
    %dma_start3A_30 = tpu.memref_slice %arg6[%dma_start3A_27, %dma_start3A_28, %dma_start3A_29] : memref<4x128x32xf32, #tpu.memory_space<vmem>> -> memref<1x128x32xf32, #tpu.memory_space<vmem>>
    %dma_start3A_31 = tpu.memref_squeeze %dma_start3A_30 : memref<1x128x32xf32, #tpu.memory_space<vmem>> -> memref<128x32xf32, #tpu.memory_space<vmem>>
    %dma_start3A_32 = arith.constant 0 : i32
    %dma_start3A_33 = tpu.memref_slice %arg5[%dma_start3A_26, %dma_start3A_32] : memref<4x128xi32, #tpu.memory_space<vmem>> -> memref<1x128xi32, #tpu.memory_space<vmem>>
    %dma_start3A_34 = tpu.memref_squeeze %dma_start3A_33 : memref<1x128xi32, #tpu.memory_space<vmem>> -> memref<128xi32, #tpu.memory_space<vmem>>
    %dma_start3A_35 = arith.constant 0 : i32
    %dma_start3A_36 = arith.constant 0 : i32
    %dma_start3A_37 = tpu.memref_slice %arg3[%dma_start3A_35, %dma_start3A_36] : memref<1000000x32xf32, #tpu.memory_space<hbm>> -> memref<1000000x32xf32, #tpu.memory_space<hbm>>
    tpu.enqueue_indirect_dma source(%dma_start3A_37 : memref<1000000x32xf32, #tpu.memory_space<hbm>>) target(%dma_start3A_31 : memref<128x32xf32, #tpu.memory_space<vmem>>) offsets(%dma_start3A_34 : memref<128xi32, #tpu.memory_space<vmem>>) semaphore(%arg8 : memref<!tpu.dma_semaphore, #tpu.memory_space<semaphore_mem>>)
    %dma_start3A_38 = arith.constant 3 : i32
    %dma_start3A_39 = arith.constant 3 : i32
    %dma_start3A_40 = arith.constant 0 : i32
    %dma_start3A_41 = arith.constant 0 : i32
    %dma_start3A_42 = tpu.memref_slice %arg6[%dma_start3A_39, %dma_start3A_40, %dma_start3A_41] : memref<4x128x32xf32, #tpu.memory_space<vmem>> -> memref<1x128x32xf32, #tpu.memory_space<vmem>>
    %dma_start3A_43 = tpu.memref_squeeze %dma_start3A_42 : memref<1x128x32xf32, #tpu.memory_space<vmem>> -> memref<128x32xf32, #tpu.memory_space<vmem>>
    %dma_start3A_44 = arith.constant 0 : i32
    %dma_start3A_45 = tpu.memref_slice %arg5[%dma_start3A_38, %dma_start3A_44] : memref<4x128xi32, #tpu.memory_space<vmem>> -> memref<1x128xi32, #tpu.memory_space<vmem>>
    %dma_start3A_46 = tpu.memref_squeeze %dma_start3A_45 : memref<1x128xi32, #tpu.memory_space<vmem>> -> memref<128xi32, #tpu.memory_space<vmem>>
    %dma_start3A_47 = arith.constant 0 : i32
    %dma_start3A_48 = arith.constant 0 : i32
    %dma_start3A_49 = tpu.memref_slice %arg3[%dma_start3A_47, %dma_start3A_48] : memref<1000000x32xf32, #tpu.memory_space<hbm>> -> memref<1000000x32xf32, #tpu.memory_space<hbm>>
    tpu.enqueue_indirect_dma source(%dma_start3A_49 : memref<1000000x32xf32, #tpu.memory_space<hbm>>) target(%dma_start3A_43 : memref<128x32xf32, #tpu.memory_space<vmem>>) offsets(%dma_start3A_46 : memref<128xi32, #tpu.memory_space<vmem>>) semaphore(%arg8 : memref<!tpu.dma_semaphore, #tpu.memory_space<semaphore_mem>>)
    %dma_wait3A = arith.constant 0 : i32
    %dma_wait3A_50 = arith.constant 0 : i32
    %dma_wait3A_51 = arith.constant 0 : i32
    %dma_wait3A_52 = arith.constant 0 : i32
    %dma_wait3A_53 = tpu.memref_slice %arg6[%dma_wait3A_50, %dma_wait3A_51, %dma_wait3A_52] : memref<4x128x32xf32, #tpu.memory_space<vmem>> -> memref<1x128x32xf32, #tpu.memory_space<vmem>>
    %dma_wait3A_54 = tpu.memref_squeeze %dma_wait3A_53 : memref<1x128x32xf32, #tpu.memory_space<vmem>> -> memref<128x32xf32, #tpu.memory_space<vmem>>
    %dma_wait3A_55 = arith.constant 0 : i32
    %dma_wait3A_56 = tpu.memref_slice %arg5[%dma_wait3A, %dma_wait3A_55] : memref<4x128xi32, #tpu.memory_space<vmem>> -> memref<1x128xi32, #tpu.memory_space<vmem>>
    %dma_wait3A_57 = tpu.memref_squeeze %dma_wait3A_56 : memref<1x128xi32, #tpu.memory_space<vmem>> -> memref<128xi32, #tpu.memory_space<vmem>>
    %dma_wait3A_58 = arith.constant 0 : i32
    %dma_wait3A_59 = arith.constant 0 : i32
    %dma_wait3A_60 = tpu.memref_slice %arg3[%dma_wait3A_58, %dma_wait3A_59] : memref<1000000x32xf32, #tpu.memory_space<hbm>> -> memref<1000000x32xf32, #tpu.memory_space<hbm>>
    tpu.wait_indirect_dma semaphore(%arg8 : memref<!tpu.dma_semaphore, #tpu.memory_space<semaphore_mem>>) src(%dma_wait3A_60 : memref<1000000x32xf32, #tpu.memory_space<hbm>>) dst(%dma_wait3A_54 : memref<128x32xf32, #tpu.memory_space<vmem>>)
    %dma_wait3A_61 = arith.constant 1 : i32
    %dma_wait3A_62 = arith.constant 1 : i32
    %dma_wait3A_63 = arith.constant 0 : i32
    %dma_wait3A_64 = arith.constant 0 : i32
    %dma_wait3A_65 = tpu.memref_slice %arg6[%dma_wait3A_62, %dma_wait3A_63, %dma_wait3A_64] : memref<4x128x32xf32, #tpu.memory_space<vmem>> -> memref<1x128x32xf32, #tpu.memory_space<vmem>>
    %dma_wait3A_66 = tpu.memref_squeeze %dma_wait3A_65 : memref<1x128x32xf32, #tpu.memory_space<vmem>> -> memref<128x32xf32, #tpu.memory_space<vmem>>
    %dma_wait3A_67 = arith.constant 0 : i32
    %dma_wait3A_68 = tpu.memref_slice %arg5[%dma_wait3A_61, %dma_wait3A_67] : memref<4x128xi32, #tpu.memory_space<vmem>> -> memref<1x128xi32, #tpu.memory_space<vmem>>
    %dma_wait3A_69 = tpu.memref_squeeze %dma_wait3A_68 : memref<1x128xi32, #tpu.memory_space<vmem>> -> memref<128xi32, #tpu.memory_space<vmem>>
    %dma_wait3A_70 = arith.constant 0 : i32
    %dma_wait3A_71 = arith.constant 0 : i32
    %dma_wait3A_72 = tpu.memref_slice %arg3[%dma_wait3A_70, %dma_wait3A_71] : memref<1000000x32xf32, #tpu.memory_space<hbm>> -> memref<1000000x32xf32, #tpu.memory_space<hbm>>
    tpu.wait_indirect_dma semaphore(%arg8 : memref<!tpu.dma_semaphore, #tpu.memory_space<semaphore_mem>>) src(%dma_wait3A_72 : memref<1000000x32xf32, #tpu.memory_space<hbm>>) dst(%dma_wait3A_66 : memref<128x32xf32, #tpu.memory_space<vmem>>)
    %dma_wait3A_73 = arith.constant 2 : i32
    %dma_wait3A_74 = arith.constant 2 : i32
    %dma_wait3A_75 = arith.constant 0 : i32
    %dma_wait3A_76 = arith.constant 0 : i32
    %dma_wait3A_77 = tpu.memref_slice %arg6[%dma_wait3A_74, %dma_wait3A_75, %dma_wait3A_76] : memref<4x128x32xf32, #tpu.memory_space<vmem>> -> memref<1x128x32xf32, #tpu.memory_space<vmem>>
    %dma_wait3A_78 = tpu.memref_squeeze %dma_wait3A_77 : memref<1x128x32xf32, #tpu.memory_space<vmem>> -> memref<128x32xf32, #tpu.memory_space<vmem>>
    %dma_wait3A_79 = arith.constant 0 : i32
    %dma_wait3A_80 = tpu.memref_slice %arg5[%dma_wait3A_73, %dma_wait3A_79] : memref<4x128xi32, #tpu.memory_space<vmem>> -> memref<1x128xi32, #tpu.memory_space<vmem>>
    %dma_wait3A_81 = tpu.memref_squeeze %dma_wait3A_80 : memref<1x128xi32, #tpu.memory_space<vmem>> -> memref<128xi32, #tpu.memory_space<vmem>>
    %dma_wait3A_82 = arith.constant 0 : i32
    %dma_wait3A_83 = arith.constant 0 : i32
    %dma_wait3A_84 = tpu.memref_slice %arg3[%dma_wait3A_82, %dma_wait3A_83] : memref<1000000x32xf32, #tpu.memory_space<hbm>> -> memref<1000000x32xf32, #tpu.memory_space<hbm>>
    tpu.wait_indirect_dma semaphore(%arg8 : memref<!tpu.dma_semaphore, #tpu.memory_space<semaphore_mem>>) src(%dma_wait3A_84 : memref<1000000x32xf32, #tpu.memory_space<hbm>>) dst(%dma_wait3A_78 : memref<128x32xf32, #tpu.memory_space<vmem>>)
    %dma_wait3A_85 = arith.constant 3 : i32
    %dma_wait3A_86 = arith.constant 3 : i32
    %dma_wait3A_87 = arith.constant 0 : i32
    %dma_wait3A_88 = arith.constant 0 : i32
    %dma_wait3A_89 = tpu.memref_slice %arg6[%dma_wait3A_86, %dma_wait3A_87, %dma_wait3A_88] : memref<4x128x32xf32, #tpu.memory_space<vmem>> -> memref<1x128x32xf32, #tpu.memory_space<vmem>>
    %dma_wait3A_90 = tpu.memref_squeeze %dma_wait3A_89 : memref<1x128x32xf32, #tpu.memory_space<vmem>> -> memref<128x32xf32, #tpu.memory_space<vmem>>
    %dma_wait3A_91 = arith.constant 0 : i32
    %dma_wait3A_92 = tpu.memref_slice %arg5[%dma_wait3A_85, %dma_wait3A_91] : memref<4x128xi32, #tpu.memory_space<vmem>> -> memref<1x128xi32, #tpu.memory_space<vmem>>
    %dma_wait3A_93 = tpu.memref_squeeze %dma_wait3A_92 : memref<1x128xi32, #tpu.memory_space<vmem>> -> memref<128xi32, #tpu.memory_space<vmem>>
    %dma_wait3A_94 = arith.constant 0 : i32
    %dma_wait3A_95 = arith.constant 0 : i32
    %dma_wait3A_96 = tpu.memref_slice %arg3[%dma_wait3A_94, %dma_wait3A_95] : memref<1000000x32xf32, #tpu.memory_space<hbm>> -> memref<1000000x32xf32, #tpu.memory_space<hbm>>
    tpu.wait_indirect_dma semaphore(%arg8 : memref<!tpu.dma_semaphore, #tpu.memory_space<semaphore_mem>>) src(%dma_wait3A_96 : memref<1000000x32xf32, #tpu.memory_space<hbm>>) dst(%dma_wait3A_90 : memref<128x32xf32, #tpu.memory_space<vmem>>)
    %iota3A = tpu.iota {dimensions = array<i32: 0>} : vector<16xi32>
    %scan3A = arith.constant 0 : i32
    %scan3A_97 = arith.constant 0 : i32
    %scan3A_98 = arith.constant 128 : i32
    %scan3A_99 = arith.addi %scan3A_97, %scan3A_98 : i32
    %scan3A_100 = arith.constant 1 : i32
    %scan3A_101 = scf.for %scan3A_175 = %scan3A_97 to %scan3A_99 step %scan3A_100 iter_args(%scan3A_176 = %scan3A) -> (i32)  : i32 {
      %jit3A = arith.constant 8 : i32
      %eq3A = arith.constant 0 : i32
      %eq3A_177 = arith.cmpi eq, %jit3A, %eq3A : i32
      %jit3A_178 = arith.constant 1 : i32
      %select_n3A = arith.select %eq3A_177, %jit3A_178, %jit3A : i32
      %rem3A = arith.remsi %scan3A_175, %select_n3A : i32
      %ne3A = arith.constant 0 : i32
      %ne3A_179 = arith.cmpi ne, %rem3A, %ne3A : i32
      %lt3A = arith.constant 0 : i32
      %lt3A_180 = arith.cmpi slt, %rem3A, %lt3A : i32
      %lt3A_181 = arith.constant 0 : i32
      %lt3A_182 = arith.cmpi slt, %select_n3A, %lt3A_181 : i32
      %ne3A_183 = arith.xori %lt3A_180, %lt3A_182 : i1
      %and3A = arith.andi %ne3A_183, %ne3A_179 : i1
      %add3A_184 = arith.addi %rem3A, %select_n3A : i32
      %select_n3A_185 = arith.select %and3A, %add3A_184, %rem3A : i32
      %jit3A_186 = arith.constant 8 : i32
      %div3A = arith.divsi %scan3A_175, %jit3A_186 : i32
      %sign3A = arith.constant 0 : i32
      %sign3A_187 = arith.cmpi sgt, %scan3A_175, %sign3A : i32
      %sign3A_188 = arith.extui %sign3A_187 : i1 to i32
      %sign3A_189 = arith.constant 0 : i32
      %sign3A_190 = arith.cmpi slt, %scan3A_175, %sign3A_189 : i32
      %sign3A_191 = arith.extui %sign3A_190 : i1 to i32
      %sign3A_192 = arith.subi %sign3A_188, %sign3A_191 : i32
      %sign3A_193 = arith.constant 0 : i32
      %sign3A_194 = arith.cmpi sgt, %jit3A_186, %sign3A_193 : i32
      %sign3A_195 = arith.extui %sign3A_194 : i1 to i32
      %sign3A_196 = arith.constant 0 : i32
      %sign3A_197 = arith.cmpi slt, %jit3A_186, %sign3A_196 : i32
      %sign3A_198 = arith.extui %sign3A_197 : i1 to i32
      %sign3A_199 = arith.subi %sign3A_195, %sign3A_198 : i32
      %ne3A_200 = arith.cmpi ne, %sign3A_192, %sign3A_199 : i32
      %rem3A_201 = arith.remsi %scan3A_175, %jit3A_186 : i32
      %ne3A_202 = arith.constant 0 : i32
      %ne3A_203 = arith.cmpi ne, %rem3A_201, %ne3A_202 : i32
      %and3A_204 = arith.andi %ne3A_200, %ne3A_203 : i1
      %sub3A = arith.constant 1 : i32
      %sub3A_205 = arith.subi %div3A, %sub3A : i32
      %select_n3A_206 = arith.select %and3A_204, %sub3A_205, %div3A : i32
      %jit3A_207 = arith.constant 4 : i32
      %eq3A_208 = arith.constant 0 : i32
      %eq3A_209 = arith.cmpi eq, %jit3A_207, %eq3A_208 : i32
      %jit3A_210 = arith.constant 1 : i32
      %select_n3A_211 = arith.select %eq3A_209, %jit3A_210, %jit3A_207 : i32
      %rem3A_212 = arith.remsi %select_n3A_206, %select_n3A_211 : i32
      %ne3A_213 = arith.constant 0 : i32
      %ne3A_214 = arith.cmpi ne, %rem3A_212, %ne3A_213 : i32
      %lt3A_215 = arith.constant 0 : i32
      %lt3A_216 = arith.cmpi slt, %rem3A_212, %lt3A_215 : i32
      %lt3A_217 = arith.constant 0 : i32
      %lt3A_218 = arith.cmpi slt, %select_n3A_211, %lt3A_217 : i32
      %ne3A_219 = arith.xori %lt3A_216, %lt3A_218 : i1
      %and3A_220 = arith.andi %ne3A_219, %ne3A_214 : i1
      %add3A_221 = arith.addi %rem3A_212, %select_n3A_211 : i32
      %select_n3A_222 = arith.select %and3A_220, %add3A_221, %rem3A_212 : i32
      %jit3A_223 = arith.constant 32 : i32
      %div3A_224 = arith.divsi %scan3A_175, %jit3A_223 : i32
      %sign3A_225 = arith.constant 0 : i32
      %sign3A_226 = arith.cmpi sgt, %scan3A_175, %sign3A_225 : i32
      %sign3A_227 = arith.extui %sign3A_226 : i1 to i32
      %sign3A_228 = arith.constant 0 : i32
      %sign3A_229 = arith.cmpi slt, %scan3A_175, %sign3A_228 : i32
      %sign3A_230 = arith.extui %sign3A_229 : i1 to i32
      %sign3A_231 = arith.subi %sign3A_227, %sign3A_230 : i32
      %sign3A_232 = arith.constant 0 : i32
      %sign3A_233 = arith.cmpi sgt, %jit3A_223, %sign3A_232 : i32
      %sign3A_234 = arith.extui %sign3A_233 : i1 to i32
      %sign3A_235 = arith.constant 0 : i32
      %sign3A_236 = arith.cmpi slt, %jit3A_223, %sign3A_235 : i32
      %sign3A_237 = arith.extui %sign3A_236 : i1 to i32
      %sign3A_238 = arith.subi %sign3A_234, %sign3A_237 : i32
      %ne3A_239 = arith.cmpi ne, %sign3A_231, %sign3A_238 : i32
      %rem3A_240 = arith.remsi %scan3A_175, %jit3A_223 : i32
      %ne3A_241 = arith.constant 0 : i32
      %ne3A_242 = arith.cmpi ne, %rem3A_240, %ne3A_241 : i32
      %and3A_243 = arith.andi %ne3A_239, %ne3A_242 : i1
      %sub3A_244 = arith.constant 1 : i32
      %sub3A_245 = arith.subi %div3A_224, %sub3A_244 : i32
      %select_n3A_246 = arith.select %and3A_243, %sub3A_245, %div3A_224 : i32
      %mul3A_247 = arith.constant 0 : i32
      %mul3A_248 = vector.broadcast %mul3A_247 : i32 to vector<16xi32>
      %mul3A_249 = arith.muli %iota3A, %mul3A_248 : vector<16xi32>
      %mul3A_250 = arith.constant 8 : i32
      %mul3A_251 = arith.muli %select_n3A_246, %mul3A_250 : i32
      %add3A_252 = arith.addi %mul3A_251, %select_n3A_185 : i32
      %add3A_253 = vector.broadcast %add3A_252 : i32 to vector<16xi32>
      %add3A_254 = arith.addi %mul3A_249, %add3A_253 : vector<16xi32>
      %mul3A_255 = arith.constant 0 : i32
      %mul3A_256 = vector.broadcast %mul3A_255 : i32 to vector<16xi32>
      %mul3A_257 = arith.muli %iota3A, %mul3A_256 : vector<16xi32>
      %add3A_258 = vector.broadcast %select_n3A_222 : i32 to vector<16xi32>
      %add3A_259 = arith.addi %mul3A_257, %add3A_258 : vector<16xi32>
      %add3A_260 = arith.constant 0 : i32
      %add3A_261 = vector.broadcast %add3A_260 : i32 to vector<16xi32>
      %add3A_262 = arith.addi %add3A_261, %iota3A : vector<16xi32>
      %gather3A = tpu.vector_load_idx %arg6[%add3A_259, %add3A_262, %add3A_254] : memref<4x128x32xf32, #tpu.memory_space<vmem>>[vector<16xi32>, vector<16xi32>, vector<16xi32>], vector<16xf32>,
      %mul3A_263 = arith.constant 128 : i32
      %mul3A_264 = arith.muli %scan3A_175, %mul3A_263 : i32
      %add3A_265 = arith.constant 0 : i32
      %add3A_266 = arith.addi %mul3A_264, %add3A_265 : i32
      %swap3A = arith.index_cast %add3A_266 : i32 to index
      %swap3A_267 = tpu.vector_load %arg7[%swap3A] {strides = array<i32>} : memref<16384xf32, #tpu.memory_space<vmem>>, vector<16xf32>,
      tpu.vector_store %arg7[%swap3A], %gather3A {strides = array<i32>} : memref<16384xf32, #tpu.memory_space<vmem>>, vector<16xf32>,
      %add3A_268 = arith.constant 16 : i32
      %add3A_269 = vector.broadcast %add3A_268 : i32 to vector<16xi32>
      %add3A_270 = arith.addi %add3A_269, %iota3A : vector<16xi32>
      %gather3A_271 = tpu.vector_load_idx %arg6[%add3A_259, %add3A_270, %add3A_254] : memref<4x128x32xf32, #tpu.memory_space<vmem>>[vector<16xi32>, vector<16xi32>, vector<16xi32>], vector<16xf32>,
      %mul3A_272 = arith.constant 128 : i32
      %mul3A_273 = arith.muli %scan3A_175, %mul3A_272 : i32
      %add3A_274 = arith.constant 16 : i32
      %add3A_275 = arith.addi %mul3A_273, %add3A_274 : i32
      %swap3A_276 = arith.index_cast %add3A_275 : i32 to index
      %swap3A_277 = tpu.vector_load %arg7[%swap3A_276] {strides = array<i32>} : memref<16384xf32, #tpu.memory_space<vmem>>, vector<16xf32>,
      tpu.vector_store %arg7[%swap3A_276], %gather3A_271 {strides = array<i32>} : memref<16384xf32, #tpu.memory_space<vmem>>, vector<16xf32>,
      %add3A_278 = arith.constant 32 : i32
      %add3A_279 = vector.broadcast %add3A_278 : i32 to vector<16xi32>
      %add3A_280 = arith.addi %add3A_279, %iota3A : vector<16xi32>
      %gather3A_281 = tpu.vector_load_idx %arg6[%add3A_259, %add3A_280, %add3A_254] : memref<4x128x32xf32, #tpu.memory_space<vmem>>[vector<16xi32>, vector<16xi32>, vector<16xi32>], vector<16xf32>,
      %mul3A_282 = arith.constant 128 : i32
      %mul3A_283 = arith.muli %scan3A_175, %mul3A_282 : i32
      %add3A_284 = arith.constant 32 : i32
      %add3A_285 = arith.addi %mul3A_283, %add3A_284 : i32
      %swap3A_286 = arith.index_cast %add3A_285 : i32 to index
      %swap3A_287 = tpu.vector_load %arg7[%swap3A_286] {strides = array<i32>} : memref<16384xf32, #tpu.memory_space<vmem>>, vector<16xf32>,
      tpu.vector_store %arg7[%swap3A_286], %gather3A_281 {strides = array<i32>} : memref<16384xf32, #tpu.memory_space<vmem>>, vector<16xf32>,
      %add3A_288 = arith.constant 48 : i32
      %add3A_289 = vector.broadcast %add3A_288 : i32 to vector<16xi32>
      %add3A_290 = arith.addi %add3A_289, %iota3A : vector<16xi32>
      %gather3A_291 = tpu.vector_load_idx %arg6[%add3A_259, %add3A_290, %add3A_254] : memref<4x128x32xf32, #tpu.memory_space<vmem>>[vector<16xi32>, vector<16xi32>, vector<16xi32>], vector<16xf32>,
      %mul3A_292 = arith.constant 128 : i32
      %mul3A_293 = arith.muli %scan3A_175, %mul3A_292 : i32
      %add3A_294 = arith.constant 48 : i32
      %add3A_295 = arith.addi %mul3A_293, %add3A_294 : i32
      %swap3A_296 = arith.index_cast %add3A_295 : i32 to index
      %swap3A_297 = tpu.vector_load %arg7[%swap3A_296] {strides = array<i32>} : memref<16384xf32, #tpu.memory_space<vmem>>, vector<16xf32>,
      tpu.vector_store %arg7[%swap3A_296], %gather3A_291 {strides = array<i32>} : memref<16384xf32, #tpu.memory_space<vmem>>, vector<16xf32>,
      %add3A_298 = arith.constant 64 : i32
      %add3A_299 = vector.broadcast %add3A_298 : i32 to vector<16xi32>
      %add3A_300 = arith.addi %add3A_299, %iota3A : vector<16xi32>
      %gather3A_301 = tpu.vector_load_idx %arg6[%add3A_259, %add3A_300, %add3A_254] : memref<4x128x32xf32, #tpu.memory_space<vmem>>[vector<16xi32>, vector<16xi32>, vector<16xi32>], vector<16xf32>,
      %mul3A_302 = arith.constant 128 : i32
      %mul3A_303 = arith.muli %scan3A_175, %mul3A_302 : i32
      %add3A_304 = arith.constant 64 : i32
      %add3A_305 = arith.addi %mul3A_303, %add3A_304 : i32
      %swap3A_306 = arith.index_cast %add3A_305 : i32 to index
      %swap3A_307 = tpu.vector_load %arg7[%swap3A_306] {strides = array<i32>} : memref<16384xf32, #tpu.memory_space<vmem>>, vector<16xf32>,
      tpu.vector_store %arg7[%swap3A_306], %gather3A_301 {strides = array<i32>} : memref<16384xf32, #tpu.memory_space<vmem>>, vector<16xf32>,
      %add3A_308 = arith.constant 80 : i32
      %add3A_309 = vector.broadcast %add3A_308 : i32 to vector<16xi32>
      %add3A_310 = arith.addi %add3A_309, %iota3A : vector<16xi32>
      %gather3A_311 = tpu.vector_load_idx %arg6[%add3A_259, %add3A_310, %add3A_254] : memref<4x128x32xf32, #tpu.memory_space<vmem>>[vector<16xi32>, vector<16xi32>, vector<16xi32>], vector<16xf32>,
      %mul3A_312 = arith.constant 128 : i32
      %mul3A_313 = arith.muli %scan3A_175, %mul3A_312 : i32
      %add3A_314 = arith.constant 80 : i32
      %add3A_315 = arith.addi %mul3A_313, %add3A_314 : i32
      %swap3A_316 = arith.index_cast %add3A_315 : i32 to index
      %swap3A_317 = tpu.vector_load %arg7[%swap3A_316] {strides = array<i32>} : memref<16384xf32, #tpu.memory_space<vmem>>, vector<16xf32>,
      tpu.vector_store %arg7[%swap3A_316], %gather3A_311 {strides = array<i32>} : memref<16384xf32, #tpu.memory_space<vmem>>, vector<16xf32>,
      %add3A_318 = arith.constant 96 : i32
      %add3A_319 = vector.broadcast %add3A_318 : i32 to vector<16xi32>
      %add3A_320 = arith.addi %add3A_319, %iota3A : vector<16xi32>
      %gather3A_321 = tpu.vector_load_idx %arg6[%add3A_259, %add3A_320, %add3A_254] : memref<4x128x32xf32, #tpu.memory_space<vmem>>[vector<16xi32>, vector<16xi32>, vector<16xi32>], vector<16xf32>,
      %mul3A_322 = arith.constant 128 : i32
      %mul3A_323 = arith.muli %scan3A_175, %mul3A_322 : i32
      %add3A_324 = arith.constant 96 : i32
      %add3A_325 = arith.addi %mul3A_323, %add3A_324 : i32
      %swap3A_326 = arith.index_cast %add3A_325 : i32 to index
      %swap3A_327 = tpu.vector_load %arg7[%swap3A_326] {strides = array<i32>} : memref<16384xf32, #tpu.memory_space<vmem>>, vector<16xf32>,
      tpu.vector_store %arg7[%swap3A_326], %gather3A_321 {strides = array<i32>} : memref<16384xf32, #tpu.memory_space<vmem>>, vector<16xf32>,
      %add3A_328 = arith.constant 112 : i32
      %add3A_329 = vector.broadcast %add3A_328 : i32 to vector<16xi32>
      %add3A_330 = arith.addi %add3A_329, %iota3A : vector<16xi32>
      %gather3A_331 = tpu.vector_load_idx %arg6[%add3A_259, %add3A_330, %add3A_254] : memref<4x128x32xf32, #tpu.memory_space<vmem>>[vector<16xi32>, vector<16xi32>, vector<16xi32>], vector<16xf32>,
      %mul3A_332 = arith.constant 128 : i32
      %mul3A_333 = arith.muli %scan3A_175, %mul3A_332 : i32
      %add3A_334 = arith.constant 112 : i32
      %add3A_335 = arith.addi %mul3A_333, %add3A_334 : i32
      %swap3A_336 = arith.index_cast %add3A_335 : i32 to index
      %swap3A_337 = tpu.vector_load %arg7[%swap3A_336] {strides = array<i32>} : memref<16384xf32, #tpu.memory_space<vmem>>, vector<16xf32>,
      tpu.vector_store %arg7[%swap3A_336], %gather3A_331 {strides = array<i32>} : memref<16384xf32, #tpu.memory_space<vmem>>, vector<16xf32>,
      %scan3A_338 = arith.constant 0 : i32
      scf.yield %scan3A_338 : i32
    }
    %scan3A_102 = arith.constant 128 : i32
    %mul3A_103 = arith.constant 4 : i32
    %mul3A_104 = arith.muli %add3A, %mul3A_103 : i32
    %add3A_105 = arith.constant 0 : i32
    %add3A_106 = arith.addi %add3A_105, %mul3A_104 : i32
    %mul3A_107 = arith.constant 1024 : i32
    %mul3A_108 = arith.muli %add3A_106, %mul3A_107 : i32
    %dma_start3A_109 = arith.constant 0 : i32
    %dma_start3A_110 = tpu.memref_slice %arg7[%dma_start3A_109] : memref<16384xf32, #tpu.memory_space<vmem>> -> memref<4096xf32, #tpu.memory_space<vmem>>
    %dma_start3A_111 = tpu.memref_slice %arg4[%mul3A_108] : memref<524288xf32, #tpu.memory_space<hbm>> -> memref<4096xf32, #tpu.memory_space<hbm>>
    %dma_start3A_112 = tpu.memref_slice %arg4[%mul3A_108] : memref<524288xf32, #tpu.memory_space<hbm>> -> memref<4096xf32, #tpu.memory_space<hbm>>
    %dma_start3A_113 = arith.constant 0 : i32
    %dma_start3A_114 = tpu.memref_slice %arg7[%dma_start3A_113] : memref<16384xf32, #tpu.memory_space<vmem>> -> memref<4096xf32, #tpu.memory_space<vmem>>
    tpu.enqueue_dma source(%dma_start3A_114 : memref<4096xf32, #tpu.memory_space<vmem>>) target(%dma_start3A_112 : memref<4096xf32, #tpu.memory_space<hbm>>) target_semaphore(%arg9 : memref<!tpu.dma_semaphore, #tpu.memory_space<semaphore_mem>>)
    %mul3A_115 = arith.constant 4 : i32
    %mul3A_116 = arith.muli %add3A, %mul3A_115 : i32
    %add3A_117 = arith.constant 128 : i32
    %add3A_118 = arith.addi %add3A_117, %mul3A_116 : i32
    %mul3A_119 = arith.constant 1024 : i32
    %mul3A_120 = arith.muli %add3A_118, %mul3A_119 : i32
    %dma_start3A_121 = arith.constant 4096 : i32
    %dma_start3A_122 = tpu.memref_slice %arg7[%dma_start3A_121] : memref<16384xf32, #tpu.memory_space<vmem>> -> memref<4096xf32, #tpu.memory_space<vmem>>
    %dma_start3A_123 = tpu.memref_slice %arg4[%mul3A_120] : memref<524288xf32, #tpu.memory_space<hbm>> -> memref<4096xf32, #tpu.memory_space<hbm>>
    %dma_start3A_124 = tpu.memref_slice %arg4[%mul3A_120] : memref<524288xf32, #tpu.memory_space<hbm>> -> memref<4096xf32, #tpu.memory_space<hbm>>
    %dma_start3A_125 = arith.constant 4096 : i32
    %dma_start3A_126 = tpu.memref_slice %arg7[%dma_start3A_125] : memref<16384xf32, #tpu.memory_space<vmem>> -> memref<4096xf32, #tpu.memory_space<vmem>>
    tpu.enqueue_dma source(%dma_start3A_126 : memref<4096xf32, #tpu.memory_space<vmem>>) target(%dma_start3A_124 : memref<4096xf32, #tpu.memory_space<hbm>>) target_semaphore(%arg9 : memref<!tpu.dma_semaphore, #tpu.memory_space<semaphore_mem>>)
    %mul3A_127 = arith.constant 4 : i32
    %mul3A_128 = arith.muli %add3A, %mul3A_127 : i32
    %add3A_129 = arith.constant 256 : i32
    %add3A_130 = arith.addi %add3A_129, %mul3A_128 : i32
    %mul3A_131 = arith.constant 1024 : i32
    %mul3A_132 = arith.muli %add3A_130, %mul3A_131 : i32
    %dma_start3A_133 = arith.constant 8192 : i32
    %dma_start3A_134 = tpu.memref_slice %arg7[%dma_start3A_133] : memref<16384xf32, #tpu.memory_space<vmem>> -> memref<4096xf32, #tpu.memory_space<vmem>>
    %dma_start3A_135 = tpu.memref_slice %arg4[%mul3A_132] : memref<524288xf32, #tpu.memory_space<hbm>> -> memref<4096xf32, #tpu.memory_space<hbm>>
    %dma_start3A_136 = tpu.memref_slice %arg4[%mul3A_132] : memref<524288xf32, #tpu.memory_space<hbm>> -> memref<4096xf32, #tpu.memory_space<hbm>>
    %dma_start3A_137 = arith.constant 8192 : i32
    %dma_start3A_138 = tpu.memref_slice %arg7[%dma_start3A_137] : memref<16384xf32, #tpu.memory_space<vmem>> -> memref<4096xf32, #tpu.memory_space<vmem>>
    tpu.enqueue_dma source(%dma_start3A_138 : memref<4096xf32, #tpu.memory_space<vmem>>) target(%dma_start3A_136 : memref<4096xf32, #tpu.memory_space<hbm>>) target_semaphore(%arg9 : memref<!tpu.dma_semaphore, #tpu.memory_space<semaphore_mem>>)
    %mul3A_139 = arith.constant 4 : i32
    %mul3A_140 = arith.muli %add3A, %mul3A_139 : i32
    %add3A_141 = arith.constant 384 : i32
    %add3A_142 = arith.addi %add3A_141, %mul3A_140 : i32
    %mul3A_143 = arith.constant 1024 : i32
    %mul3A_144 = arith.muli %add3A_142, %mul3A_143 : i32
    %dma_start3A_145 = arith.constant 12288 : i32
    %dma_start3A_146 = tpu.memref_slice %arg7[%dma_start3A_145] : memref<16384xf32, #tpu.memory_space<vmem>> -> memref<4096xf32, #tpu.memory_space<vmem>>
    %dma_start3A_147 = tpu.memref_slice %arg4[%mul3A_144] : memref<524288xf32, #tpu.memory_space<hbm>> -> memref<4096xf32, #tpu.memory_space<hbm>>
    %dma_start3A_148 = tpu.memref_slice %arg4[%mul3A_144] : memref<524288xf32, #tpu.memory_space<hbm>> -> memref<4096xf32, #tpu.memory_space<hbm>>
    %dma_start3A_149 = arith.constant 12288 : i32
    %dma_start3A_150 = tpu.memref_slice %arg7[%dma_start3A_149] : memref<16384xf32, #tpu.memory_space<vmem>> -> memref<4096xf32, #tpu.memory_space<vmem>>
    tpu.enqueue_dma source(%dma_start3A_150 : memref<4096xf32, #tpu.memory_space<vmem>>) target(%dma_start3A_148 : memref<4096xf32, #tpu.memory_space<hbm>>) target_semaphore(%arg9 : memref<!tpu.dma_semaphore, #tpu.memory_space<semaphore_mem>>)
    %dma_wait3A_151 = arith.constant 0 : i32
    %dma_wait3A_152 = tpu.memref_slice %arg7[%dma_wait3A_151] : memref<16384xf32, #tpu.memory_space<vmem>> -> memref<4096xf32, #tpu.memory_space<vmem>>
    %dma_wait3A_153 = tpu.memref_slice %arg4[%mul3A_108] : memref<524288xf32, #tpu.memory_space<hbm>> -> memref<4096xf32, #tpu.memory_space<hbm>>
    %dma_wait3A_154 = tpu.memref_slice %arg4[%mul3A_108] : memref<524288xf32, #tpu.memory_space<hbm>> -> memref<4096xf32, #tpu.memory_space<hbm>>
    %dma_wait3A_155 = arith.constant 0 : i32
    %dma_wait3A_156 = tpu.memref_slice %arg7[%dma_wait3A_155] : memref<16384xf32, #tpu.memory_space<vmem>> -> memref<4096xf32, #tpu.memory_space<vmem>>
    tpu.wait_dma2 semaphore(%arg9 : memref<!tpu.dma_semaphore, #tpu.memory_space<semaphore_mem>>) src(%dma_wait3A_156 : memref<4096xf32, #tpu.memory_space<vmem>>) dst(%dma_wait3A_154 : memref<4096xf32, #tpu.memory_space<hbm>>)
    %dma_wait3A_157 = arith.constant 4096 : i32
    %dma_wait3A_158 = tpu.memref_slice %arg7[%dma_wait3A_157] : memref<16384xf32, #tpu.memory_space<vmem>> -> memref<4096xf32, #tpu.memory_space<vmem>>
    %dma_wait3A_159 = tpu.memref_slice %arg4[%mul3A_120] : memref<524288xf32, #tpu.memory_space<hbm>> -> memref<4096xf32, #tpu.memory_space<hbm>>
    %dma_wait3A_160 = tpu.memref_slice %arg4[%mul3A_120] : memref<524288xf32, #tpu.memory_space<hbm>> -> memref<4096xf32, #tpu.memory_space<hbm>>
    %dma_wait3A_161 = arith.constant 4096 : i32
    %dma_wait3A_162 = tpu.memref_slice %arg7[%dma_wait3A_161] : memref<16384xf32, #tpu.memory_space<vmem>> -> memref<4096xf32, #tpu.memory_space<vmem>>
    tpu.wait_dma2 semaphore(%arg9 : memref<!tpu.dma_semaphore, #tpu.memory_space<semaphore_mem>>) src(%dma_wait3A_162 : memref<4096xf32, #tpu.memory_space<vmem>>) dst(%dma_wait3A_160 : memref<4096xf32, #tpu.memory_space<hbm>>)
    %dma_wait3A_163 = arith.constant 8192 : i32
    %dma_wait3A_164 = tpu.memref_slice %arg7[%dma_wait3A_163] : memref<16384xf32, #tpu.memory_space<vmem>> -> memref<4096xf32, #tpu.memory_space<vmem>>
    %dma_wait3A_165 = tpu.memref_slice %arg4[%mul3A_132] : memref<524288xf32, #tpu.memory_space<hbm>> -> memref<4096xf32, #tpu.memory_space<hbm>>
    %dma_wait3A_166 = tpu.memref_slice %arg4[%mul3A_132] : memref<524288xf32, #tpu.memory_space<hbm>> -> memref<4096xf32, #tpu.memory_space<hbm>>
    %dma_wait3A_167 = arith.constant 8192 : i32
    %dma_wait3A_168 = tpu.memref_slice %arg7[%dma_wait3A_167] : memref<16384xf32, #tpu.memory_space<vmem>> -> memref<4096xf32, #tpu.memory_space<vmem>>
    tpu.wait_dma2 semaphore(%arg9 : memref<!tpu.dma_semaphore, #tpu.memory_space<semaphore_mem>>) src(%dma_wait3A_168 : memref<4096xf32, #tpu.memory_space<vmem>>) dst(%dma_wait3A_166 : memref<4096xf32, #tpu.memory_space<hbm>>)
    %dma_wait3A_169 = arith.constant 12288 : i32
    %dma_wait3A_170 = tpu.memref_slice %arg7[%dma_wait3A_169] : memref<16384xf32, #tpu.memory_space<vmem>> -> memref<4096xf32, #tpu.memory_space<vmem>>
    %dma_wait3A_171 = tpu.memref_slice %arg4[%mul3A_144] : memref<524288xf32, #tpu.memory_space<hbm>> -> memref<4096xf32, #tpu.memory_space<hbm>>
    %dma_wait3A_172 = tpu.memref_slice %arg4[%mul3A_144] : memref<524288xf32, #tpu.memory_space<hbm>> -> memref<4096xf32, #tpu.memory_space<hbm>>
    %dma_wait3A_173 = arith.constant 12288 : i32
    %dma_wait3A_174 = tpu.memref_slice %arg7[%dma_wait3A_173] : memref<16384xf32, #tpu.memory_space<vmem>> -> memref<4096xf32, #tpu.memory_space<vmem>>
    tpu.wait_dma2 semaphore(%arg9 : memref<!tpu.dma_semaphore, #tpu.memory_space<semaphore_mem>>) src(%dma_wait3A_174 : memref<4096xf32, #tpu.memory_space<vmem>>) dst(%dma_wait3A_172 : memref<4096xf32, #tpu.memory_space<hbm>>)
    return
  }
}

</mosaic_0001>

<sc_bundles>
// kernel: kernel.3.cloned.1.call-start
scs
__scs_entry_jumppad:
0x0: {  	(pc) =	sbr.rel $0x88, $3  }
0x1: {  	(tag) =	ssettag $0x0;
	lr =	simm.s32 $0x1  }
0x2: {  	[smem:$0x3F9F] =	sst lr;
	_ =	strace $0xD0000000  }
0x3: {  	_ = 	snop  }
0x4: {  	_ = 	snop  }
0x5: {  	_ = 	snop  }
0x6: {  	_ = 	snop  }
0x7: {  	_ = 	snop  }
__scs_overlays_trampoline_lowered:
0x8: {  	[smem:$0x3FAE] =	sst s0  }
0x9: {  	[smem:$0x3FAF] =	sst s1  }
0xa: {  	[smem:$0x3FB0] =	sst s2  }
0xb: {  	[smem:$0x3FB1] =	sst s3  }
0xc: {  	[smem:$0x3FB2] =	sst s4  }
0xd: {  	[smem:$0x3FB3] =	sst s5  }
0xe: {  	[smem:$0x3FB4] =	sst s6  }
0xf: {  	[smem:$0x3FB5] =	sst s7  }
0x10: {  	[smem:$0x3FB6] =	sst s8  }
0x11: {  	[smem:$0x3FB7] =	sst s9;
	s0 =	simm.s32 @!p0 $0x0  }
0x12: {  	s1 =	sld [smem:$0x3F9D];
	s0 =	simm.s32 @p0 $0x1  }
0x13: {  	[smem:$0x3FB8] =	sst s0;
	s0 =	simm.s32 @!p1 $0x0  }
0x14: {  	s2 =	sld [smem:$0x3F9C];
	s0 =	simm.s32 @p1 $0x1  }
0x15: {  	[smem:$0x3FB9] =	sst s0;
	s0 =	simm.s32 @!p2 $0x0  }
0x16: {  	s3 =	sld [smem:$0x3FDB];
	s0 =	simm.s32 @p2 $0x1  }
0x17: {  	s4 =	simm.s32 $0x1BF5;
	[smem:$0x3FBB] =	sst s0  }
0x18: {  	s0 =	sld [smem:$0x3F9E];
	_ =	swait.ge [sflag:s4], $0x0  }
0x19: {  	s7 =	sld [smem:$0x3F9F]  }
0x1a: {  	s8 =	sadd.s32 $0xFFFFE003, lr  }
0x1b: {  	s9 =	sadd.s32 $0xFFFFFEF7, lr;
	s5 =	simm.s32 $0xFFFFFFFF;
	p2 =	slt.u32 s8, $0xFFFFF086  }
0x1c: {  	p1 =	slt.u32 s9, $0xF7A;
	s5 =	simm.s32 @!p2 $0x0  }
0x1d: {  	s5 =	simm.s32 @p1 $0x1;
	p0 =	seq.s32 s7, s2  }
0x1e: {  	s7 =	smul.u32 @!p0 $0xF7A, s2;
	p2 =	seq.s32 @!p0 s5, $0x0  }
0x1f: {  	s9 =	smul.u32 $0xF7A, s1;
	s8 =	simm.s32 @!p0 $0x1BF5;
	p2 =	por !p2, p0  }
0x20: {  	[sflag:s8] =	ssyncset.s32 @!p0 $0xFFFFF086;
	s6 =	sadd.s32 @!p0 s3, s7;
	s7 =	simm.s32 @!p0 $0x108  }
0x21: {  	s3 =	sadd.s32 s3, s9;
	s6 =	sadd.s32 @!p0 $0x88, s6;
	s7 =	simm.s32 @p2 $0x1082  }
0x22: {  	[simem:s7], [sflag:s8] =	dma.local @!p0 [hbm:s6], $0xF7A  }
0x23: {  	s9 =	sor.u32 $0xD0000000, s2;
	s6 =	simm.s32 $0x108;
	_ =	swait.ge @!p0 [sflag:s8], $0x0  }
0x24: {  	s3 =	sadd.s32 $0x88, s3;
	s6 =	simm.s32 @!p1 $0x1082;
	[sflag:s4] =	ssyncset.s32 $0xFFFFF086  }
0x25: {  	[simem:s6], [sflag:s4] =	dma.local [hbm:s3], $0xF7A  }
0x26: {  	[smem:$0x3F9F] =	sst s1;
	(tag) =	ssettag s2;
	_ =	strace s9  }
0x27: {  	s1 =	sld [smem:$0x3FAF]  }
0x28: {  	s2 =	sld [smem:$0x3FB0]  }
0x29: {  	s4 =	sld [smem:$0x3FB2]  }
0x2a: {  	p0 =	seq.s32 s5, $0x0;
	s5 =	sld [smem:$0x3FB3]  }
0x2b: {  	s6 =	sld [smem:$0x3FB4]  }
0x2c: {  	s7 =	sld [smem:$0x3FB5]  }
0x2d: {  	s3 =	simm.s32 $0x108;
	s8 =	sld [smem:$0x3FB6]  }
0x2e: {  	s3 =	simm.s32 @!p0 $0x1082;
	s9 =	sld [smem:$0x3FB7]  }
0x2f: {  	lr =	sadd.s32 s0, s3;
	s0 =	sld [smem:$0x3FAE]  }
0x30: {  	s3 =	sld [smem:$0x3FB1]  }
0x31: {  	[smem:$0x3FBA] =	sst s10  }
0x32: {  	s10 =	sld [smem:$0x3FB8];
	_ =	sdelay $0x3  }
0x33: {  	p0 =	seq.s32 s10, $0x1;
	s10 =	sld [smem:$0x3FBA];
	_ =	sdelay $0x3  }
0x34: {  	[smem:$0x3FBA] =	sst s10  }
0x35: {  	s10 =	sld [smem:$0x3FB9];
	_ =	sdelay $0x3  }
0x36: {  	p1 =	seq.s32 s10, $0x1;
	s10 =	sld [smem:$0x3FBA];
	_ =	sdelay $0x3  }
0x37: {  	[smem:$0x3FBA] =	sst s10  }
0x38: {  	s10 =	sld [smem:$0x3FBB]  }
0x39: {  	_ = 	snop;
	(pc) =	sbr.ind lr, $3  }
0x3a: {  	_ = 	snop  }
0x3b: {  	_ = 	snop  }
0x3c: {  	p2 =	seq.s32 s10, $0x1;
	s10 =	sld [smem:$0x3FBA]  }
0x3d: {  	_ =	shalt  }
0x3e: {  	_ =	shalt  }
0x3f: {  	_ =	shalt  }
0x40: {  	_ =	shalt  }
0x41: {  	_ =	shalt  }
0x42: {  	_ =	shalt  }
0x43: {  	_ =	shalt  }
0x44: {  	_ =	shalt  }
0x45: {  	_ =	shalt  }
0x46: {  	_ =	shalt  }
0x47: {  	_ =	shalt  }
0x48: {  	_ =	shalt  }
0x49: {  	_ =	shalt  }
0x4a: {  	_ =	shalt  }
0x4b: {  	_ =	shalt  }
0x4c: {  	_ =	shalt  }
0x4d: {  	_ =	shalt  }
0x4e: {  	_ =	shalt  }
0x4f: {  	_ =	shalt  }
0x50: {  	_ =	shalt  }
0x51: {  	_ =	shalt  }
0x52: {  	_ =	shalt  }
0x53: {  	_ =	shalt  }
0x54: {  	_ =	shalt  }
0x55: {  	_ =	shalt  }
0x56: {  	_ =	shalt  }
0x57: {  	_ =	shalt  }
0x58: {  	_ =	shalt  }
0x59: {  	_ =	shalt  }
0x5a: {  	_ =	shalt  }
0x5b: {  	_ =	shalt  }
0x5c: {  	_ =	shalt  }
0x5d: {  	_ =	shalt  }
0x5e: {  	_ =	shalt  }
0x5f: {  	_ =	shalt  }
0x60: {  	_ =	shalt  }
0x61: {  	_ =	shalt  }
0x62: {  	_ =	shalt  }
0x63: {  	_ =	shalt  }
0x64: {  	_ =	shalt  }
0x65: {  	_ =	shalt  }
0x66: {  	_ =	shalt  }
0x67: {  	_ =	shalt  }
0x68: {  	_ =	shalt  }
0x69: {  	_ =	shalt  }
0x6a: {  	_ =	shalt  }
0x6b: {  	_ =	shalt  }
0x6c: {  	_ =	shalt  }
0x6d: {  	_ =	shalt  }
0x6e: {  	_ =	shalt  }
0x6f: {  	_ =	shalt  }
0x70: {  	_ =	shalt  }
0x71: {  	_ =	shalt  }
0x72: {  	_ =	shalt  }
0x73: {  	_ =	shalt  }
0x74: {  	_ =	shalt  }
0x75: {  	_ =	shalt  }
0x76: {  	_ =	shalt  }
0x77: {  	_ =	shalt  }
0x78: {  	_ =	shalt  }
0x79: {  	_ =	shalt  }
0x7a: {  	_ =	shalt  }
0x7b: {  	_ =	shalt  }
0x7c: {  	_ =	shalt  }
0x7d: {  	_ =	shalt  }
0x7e: {  	_ =	shalt  }
0x7f: {  	_ =	shalt  }
0x80: {  	_ =	shalt  }
0x81: {  	_ =	shalt  }
0x82: {  	_ =	shalt  }
0x83: {  	_ =	shalt  }
0x84: {  	_ =	shalt  }
0x85: {  	_ =	shalt  }
0x86: {  	_ =	shalt  }
0x87: {  	_ =	shalt  }
.Lfunc_end0:
.L_simem_size_0:
called_computation_lowered:
.L_overlay_start_0:
0x88: {  	s2 =	sld [smem:$0x3FD9]  }
0x89: {  	s3 =	sld [smem:$0x3FFE];
	_ =	sdelay $0x1  }
0x8a: {  	s1 =	srdreg.scid  }
0x8b: {  	s0 =	sand.u32 $0x1, s1  }
0x8c: {  	s17 =	sshll.u32 s0, $0xA;
	s2 =	sadd.s32 s3, s2  }
0x8d: {  	s2 =	sadd.s32 s2, s17  }
0x8e: {  	[smem:$0x3FC6] =	sst s2  }
0x8f: {  	_ = 	snop  }
0x90: {  	s2 =	sld [smem:$0x3FC9]  }
0x91: {  	s18 =	sld [smem:$0x3FD0];
	(tm) =	ssettm $0x1  }
0x92: {  	s4 =	sld [smem:$0x3FFB];
	_ =	sdelay $0x3  }
0x93: {  	_ =	strace s4  }
0x94: {  	s4 =	sld [smem:$0x3FFC];
	_ =	sdelay $0x3  }
0x95: {  	_ =	strace s4  }
0x96: {  	s4 =	sld [smem:$0x3FFD];
	_ =	sdelay $0x3  }
0x97: {  	_ =	strace s4  }
0x98: {  	_ =	strace $0x8FFFFFFF  }
0x99: {  	s19 =	sld [smem:$0x3FDB];
	_ =	sdelay $0x1  }
0x9a: {  	s5 =	simm.s32 $_scs_section_size  }
0x9b: {  	s6 =	simm.s32 $_size__tile_overlayer_lowered;
	s7 =	simm.s32 $_tile_overlayer_lowered  }
0x9c: {  	s22 =	simm.s32 $0x1BFF;
	s21 =	sshll.u32 s7, $0x1;
	s4 =	sadd.s32 s5, s19  }
0x9d: {  	s8 =	simm.s32 $0x0;
	s20 =	sshll.u32 s6, $0x1;
	s6 =	sadd.s32 s21, s4  }
0x9e: {  	[timem:s8], [sflag:s22] =	dma.local [hbm:s6], s20  }
0x9f: {  	_ =	swait.ge [sflag:s22], s20  }
0xa0: {  	s5 =	ssub.s32 $0x0, s20;
	[sflag:s22] =	ssyncset.done $0x0  }
0xa1: {  	[sflag:s22] =	ssyncadd.s32 s5;
	_ =	sdelay $0x1  }
0xa2: {  	s23 =	simm.s32 $0x1B8B  }
0xa3: {  	_ =	swait.ge [sflag:s23], $0x1  }
0xa4: {  	[sflag:s23] =	ssyncset.done $0x0  }
0xa5: {  	s25 =	simm.s32 $0x1B8E;
	s24 =	sld [smem:$0x3FFE];
	[sflag:s23] =	ssyncadd.s32 $0xFFFFFFFF  }
0xa6: {  	s26 =	simm.s32 $execute0_lowered;
	[smem:$0x3FD2] =	sst s25  }
0xa7: {  	s6 =	sshll.u32 s26, $0x1;
	_ =	strace $0x80000046;
	[dreg:$0x1] =	wrdreg $0xFFFFFFFF  }
0xa8: {  	s28 =	simm.s32 $_size_execute0_lowered;
	s4 =	sadd.s32 s4, s6;
	[dreg:$0x0] =	wrdreg $0x0  }
0xa9: {  	s6 =	sshll.u32 s28, $0x1;
	[dreg:$0x2] =	wrdreg s4  }
0xaa: {  	[dreg:$0x3] =	wrdreg s6  }
0xab: {  	[dreg:$0x4] =	wrdreg $0xC0  }
0xac: {  	_ =	task [dreg:s8], $0x5FFFF  }
0xad: {  	[dreg:$0x1] =	wrdreg $0xFFFFFFFF  }
0xae: {  	[dreg:$0x0] =	wrdreg $0x60  }
0xaf: {  	[dreg:$0x2] =	wrdreg s2  }
0xb0: {  	[dreg:$0x3] =	wrdreg s24  }
0xb1: {  	[dreg:$0x4] =	wrdreg s18  }
0xb2: {  	[dreg:$0x5] =	wrdreg $0x9  }
0xb3: {  	_ =	task.clear_ibuf [dreg:s8], $0x6FFFF;
	_ =	strace $0x90000046  }
0xb4: {  	s29 =	simm.s32 $0x9;
	_ =	strace $0x80000048  }
0xb5: {  	_ =	swait.ge [sflag:s29], $0x1  }
0xb6: {  	[sflag:s29] =	ssyncadd.s32 $0xFFFFFFFF  }
0xb7: {  	_ =	strace $0x90000048  }
0xb8: {  	_ =	sfence  }
0xb9: {  	s30 =	sld [smem:$0x0];
	_ =	sdelay $0x2  }
0xba: {  	s31 =	sshll.u32 s1, $0xD;
	s1 =	sshrl.u32 s1, $0x2  }
0xbb: {  	s3 =	sand.u32 $0x4000, s31;
	s1 =	sadd.s32 s1, s30  }
0xbc: {  	s0 =	sor.u32 s3, s0;
	s1 =	sshll.u32 s1, $0x11  }
0xbd: {  	s0 =	sor.u32 s1, s0  }
0xbe: {  	s0 =	sadd.s32 $0x8F2B, s0  }
0xbf: {  	[sflag:s0] =	ssyncadd.remote.s32 $0x1  }
0xc0: {  	_ =	sfence.sel $0xFFFF  }
0xc1: {  	[dreg:$0x0] =	wrdreg $0xFFFFFFFF;
	(pc) =	sbr.abs _section_cstart, $3  }
0xc2: {  	[dreg:$0x1] =	wrdreg $0xFFFFFFFF  }
0xc3: {  	_ =	task.clear_ibuf [dreg:s8], $0x2FFFF;
	_ =	strace $0x9FFFFFFF  }
0xc4: {  	(tm) =	ssettm $0x7FFFFFFF  }
0xc5: {  	_ =	shalt  }
tec
execute0_lowered:
.L_overlay_start_1:
0x0: {  	(tag) =	ssettag $0x1  }
0x1: {  	s5 =	rddreg [dreg:$0x0]  }
0x2: {  	s3 =	rddreg [dreg:$0x1]  }
0x3: {  	s4 =	rddreg [dreg:$0x2]  }
0x4: {  	s0 =	rddreg [dreg:$0x3];
	s2 =	simm.s32 $0x0;
	s6 =	srdreg.scid  }
0x5: {  	s1 =	stileid.u32;
	s10 =	simm.s32 $0x3;
	s11 =	simm.s32 $0x80  }
0x6: {  	s12 =	simm.s32 $0x200;
	s13 =	simm.s32 $0x1200;
	s14 =	simm.s32 $0x100  }
0x7: {  	s15 =	simm.s32 $0x2200;
	s16 =	simm.s32 $0x180;
	s17 =	simm.s32 $0x3200  }
0x8: {  	s18 =	simm.s32 $0x1;
	s19 =	simm.s32 $0x4200;
	s20 =	simm.s32 $0x5200  }
0x9: {  	s21 =	simm.s32 $0x6200;
	s22 =	simm.s32 $0x7200;
	s23 =	simm.s32 $0x2  }
0xa: {  	v0 =	vlaneseq.u32;
	s24 =	simm.s32 $0x0;
	s6 =	sand.u32 $0x1, s6;
	s7 =	sshll.u32 s1, $0x1  }
0xb: {  	[smem:$0x7FF] =	sst s2;
	s3 =	sadd.s32 $0xF42800, s3;
	v0 =	vmul.u32 $0x20, v0;
	s7 =	sor.u32 s6, s7  }
0xc: {  	_ =	strace $0x80000047;
	s6 =	ssub.s32 $0x2, s6;
	s8 =	sshll.u32 s7, $0x9  }
0xd: {  	s9 =	sshrl.u32 s6, $0x1;
	s7 =	sshll.u32 s7, $0x6;
	v1 =	vor.u32 $0x200, v0;
	s4 =	sadd.s32 s4, s8  }
0xe: {  	v2 =	vor.u32 $0x400, v0;
	v3 =	vor.u32 $0x600, v0;
	v4 =	vor.u32 $0x800, v0;
	s9 =	ssub.s32 s6, s9;
	s5 =	sadd.s32 s5, s7;
	s6 =	sadd.s32 $0x4000, s4  }
0xf: {  	v5 =	vor.u32 $0xA00, v0;
	v6 =	vor.u32 $0xC00, v0;
	v7 =	vor.u32 $0xE00, v0;
	s7 =	sadd.s32 $0x8000, s4;
	s8 =	sadd.s32 $0xC000, s4;
	s9 =	smax.u32 s9, $0x1  }
.LBB2_1:
0x10: {  	[tilespmem:s2], [sflag:$0x3] =	stream.linear.gather [hbm4b:s5+s2], $0x200, $0x38;
	[tilespmem:$0x8200] =	vst v63  }
0x11: {  	_ =	swait.ge [sflag:s10], $0x200  }
0x12: {  	[sflag:s10] =	ssyncset.done $0x0  }
0x13: {  	[sflag:s10] =	ssyncadd.s32 $0xFFFFFE00  }
0x14: {  	[tilespmem:s12], [sflag:$0x1] =	stream.indirect.gather [hbm4b:s3+s11], $0x20, s2, s11, $0xb8;
	[tilespmem:$0x8200] =	vst v63  }
0x15: {  	_ = 	snop  }
0x16: {  	[tilespmem:s13], [sflag:$0x1] =	stream.indirect.gather [hbm4b:s3+s11], $0x20, s11, s11, $0xb8;
	[tilespmem:$0x8200] =	vst v63  }
0x17: {  	_ = 	snop  }
0x18: {  	[tilespmem:s15], [sflag:$0x1] =	stream.indirect.gather [hbm4b:s3+s11], $0x20, s14, s11, $0xb8;
	[tilespmem:$0x8200] =	vst v63  }
0x19: {  	_ = 	snop  }
0x1a: {  	[tilespmem:s17], [sflag:$0x1] =	stream.indirect.gather [hbm4b:s3+s11], $0x20, s16, s11, $0xb8;
	[tilespmem:$0x8200] =	vst v63  }
0x1b: {  	s25 =	simm.s32 $0x0;
	_ =	swait.ge [sflag:s18], $0x1000  }
0x1c: {  	s26 =	sand.u32 $0x7, s2;
	s25 =	sand.u32 $0x18, s25;
	[sflag:s18] =	ssyncset.done $0x0  }
0x1d: {  	s25 =	sor.u32 s26, s25;
	[sflag:s18] =	ssyncadd.s32 $0xFFFFF000  }
0x1e: {  	s31 =	simm.s32 $0x0;
	v8 =	vmov s25;
	_ =	swait.ge [sflag:s18], $0x1000  }
0x1f: {  	s25 =	sand.u32 $0x3000, s31;
	v9 =	vand.u32 $0x18, v8;
	[sflag:s18] =	ssyncset.done $0x0  }
0x20: {  	v8 =	vand.u32 $0x7, v8;
	v9 =	vor.u32 s25, v9;
	[sflag:s18] =	ssyncadd.s32 $0xFFFFF000  }
0x21: {  	v9 =	vor.u32 v8, v9;
	_ =	swait.ge [sflag:s18], $0x1000  }
0x22: {  	v8 =	vor.u32 v0, v9;
	[sflag:s18] =	ssyncset.done $0x0  }
0x23: {  	[sflag:s18] =	ssyncadd.s32 $0xFFFFF000  }
0x24: {  	_ =	swait.ge [sflag:s18], $0x1000  }
0x25: {  	[sflag:s18] =	ssyncset.done $0x0  }
0x26: {  	[sflag:s18] =	ssyncadd.s32 $0xFFFFF000  }
0x27: {  	v8 =	vld.idx.msk [tilespmem:v8+s12+$0x0], $0xffff  }
0x28: {  	v10 =	vor.u32 v1, v9;
	_ =	sdelay $0x2  }
0x29: {  	s25 =	simm.s32 $0x4240  }
0x2a: {  	[tilespmem:s25+$0xFFFFFFC0] =	vst v8  }
0x2b: {  	v8 =	vld.idx.msk [tilespmem:v10+s12+$0x0], $0xffff  }
0x2c: {  	v10 =	vor.u32 v2, v9;
	_ =	sdelay $0x3  }
0x2d: {  	[tilespmem:s25+$0xFFFFFFD0] =	vst v8  }
0x2e: {  	v8 =	vld.idx.msk [tilespmem:v10+s12+$0x0], $0xffff  }
0x2f: {  	v10 =	vor.u32 v3, v9;
	_ =	sdelay $0x3  }
0x30: {  	[tilespmem:s25+$0xFFFFFFE0] =	vst v8  }
0x31: {  	v8 =	vld.idx.msk [tilespmem:v10+s12+$0x0], $0xffff  }
0x32: {  	v10 =	vor.u32 v4, v9;
	_ =	sdelay $0x3  }
0x33: {  	[tilespmem:s25+$0xFFFFFFF0] =	vst v8  }
0x34: {  	v8 =	vld.idx.msk [tilespmem:v10+s12+$0x0], $0xffff  }
0x35: {  	v10 =	vor.u32 v5, v9;
	_ =	sdelay $0x3  }
0x36: {  	[tilespmem:s25+$0x0] =	vst v8  }
0x37: {  	v8 =	vld.idx.msk [tilespmem:v10+s12+$0x0], $0xffff  }
0x38: {  	v10 =	vor.u32 v6, v9;
	_ =	sdelay $0x3  }
0x39: {  	[tilespmem:s25+$0x10] =	vst v8  }
0x3a: {  	v8 =	vld.idx.msk [tilespmem:v10+s12+$0x0], $0xffff  }
0x3b: {  	s29 =	simm.s32 $0x0;
	s28 =	simm.s32 $0x2;
	s26 =	simm.s32 $0x1;
	v9 =	vor.u32 v7, v9  }
.LBB2_2:
0x3c: {  	p0 =	sne.s32 s28, $0x7F;
	s30 =	sand.u32 $0x7, s26;
	s29 =	sand.u32 $0x18, s29  }
0x3d: {  	s29 =	sor.u32 s30, s29  }
0x3e: {  	v10 =	vmov s29;
	s29 =	sshll.u32 s26, $0x9;
	s26 =	smov.u32 s28  }
0x3f: {  	v11 =	vand.u32 $0x18, v10;
	s29 =	sand.u32 $0x3000, s29;
	[tilespmem:s25+$0x20] =	vst v8  }
0x40: {  	v8 =	vand.u32 $0x7, v10;
	v10 =	vor.u32 s29, v11;
	v9 =	vld.idx.msk [tilespmem:v9+s12+$0x0], $0xffff  }
0x41: {  	v10 =	vor.u32 v8, v10  }
0x42: {  	v8 =	vor.u32 v0, v10;
	_ =	sdelay $0x3  }
0x43: {  	[tilespmem:s25+$0x30] =	vst v9  }
0x44: {  	v8 =	vld.idx.msk [tilespmem:v8+s12+$0x0], $0xffff;
	_ =	sdelay $0x1  }
0x45: {  	v9 =	vor.u32 v1, v10;
	_ =	sdelay $0x2  }
0x46: {  	s25 =	sadd.s32 $0x80, s25  }
0x47: {  	[tilespmem:s25+$0xFFFFFFC0] =	vst v8  }
0x48: {  	v8 =	vld.idx.msk [tilespmem:v9+s12+$0x0], $0xffff;
	_ =	sdelay $0x1  }
0x49: {  	v9 =	vor.u32 v2, v10;
	_ =	sdelay $0x3  }
0x4a: {  	[tilespmem:s25+$0xFFFFFFD0] =	vst v8  }
0x4b: {  	v8 =	vld.idx.msk [tilespmem:v9+s12+$0x0], $0xffff;
	_ =	sdelay $0x1  }
0x4c: {  	v9 =	vor.u32 v3, v10;
	_ =	sdelay $0x3  }
0x4d: {  	[tilespmem:s25+$0xFFFFFFE0] =	vst v8  }
0x4e: {  	v8 =	vld.idx.msk [tilespmem:v9+s12+$0x0], $0xffff;
	_ =	sdelay $0x1  }
0x4f: {  	v9 =	vor.u32 v4, v10;
	_ =	sdelay $0x3  }
0x50: {  	[tilespmem:s25+$0xFFFFFFF0] =	vst v8  }
0x51: {  	v8 =	vld.idx.msk [tilespmem:v9+s12+$0x0], $0xffff;
	_ =	sdelay $0x1  }
0x52: {  	v9 =	vor.u32 v5, v10;
	_ =	sdelay $0x3  }
0x53: {  	[tilespmem:s25+$0x0] =	vst v8  }
0x54: {  	v8 =	vld.idx.msk [tilespmem:v9+s12+$0x0], $0xffff;
	_ =	sdelay $0x1  }
0x55: {  	v9 =	vor.u32 v6, v10;
	_ =	sdelay $0x2  }
.Ltmp0:
0x56: {  	(pc) =	sbr.rel @p0 .LBB2_2-.Ltmp0, $3  }
0x57: {  	[tilespmem:s25+$0x10] =	vst v8  }
0x58: {  	v8 =	vld.idx.msk [tilespmem:v9+s12+$0x0], $0xffff;
	_ =	sdelay $0x1  }
0x59: {  	s28 =	sadd.s32 $0x1, s28;
	s29 =	sshrl.u32 s26, $0x2;
	v9 =	vor.u32 v7, v10  }
0x5a: {  	s28 =	sand.u32 $0x7, s26;
	s29 =	sand.u32 $0x18, s29  }
0x5b: {  	s28 =	sor.u32 s28, s29  }
0x5c: {  	s30 =	sshll.u32 s26, $0x9;
	v10 =	vmov s28  }
0x5d: {  	s26 =	sand.u32 $0x3000, s30;
	v11 =	vand.u32 $0x18, v10  }
0x5e: {  	[tilespmem:s25+$0x20] =	vst v8;
	v8 =	vand.u32 $0x7, v10;
	v57 =	vor.u32 s26, v11  }
0x5f: {  	v9 =	vld.idx.msk [tilespmem:v9+s12+$0x0], $0xffff;
	v8 =	vor.u32 v8, v57  }
0x60: {  	v10 =	vor.u32 v0, v8;
	_ =	sdelay $0x3  }
0x61: {  	[tilespmem:s25+$0x30] =	vst v9  }
0x62: {  	v9 =	vld.idx.msk [tilespmem:v10+s12+$0x0], $0xffff  }
0x63: {  	v58 =	vor.u32 v1, v8;
	_ =	sdelay $0x2  }
0x64: {  	s31 =	sadd.s32 $0x80, s25  }
0x65: {  	[tilespmem:s31+$0xFFFFFFC0] =	vst v9  }
0x66: {  	v9 =	vld.idx.msk [tilespmem:v58+s12+$0x0], $0xffff  }
0x67: {  	v59 =	vor.u32 v2, v8;
	_ =	sdelay $0x3  }
0x68: {  	[tilespmem:s31+$0xFFFFFFD0] =	vst v9  }
0x69: {  	v9 =	vld.idx.msk [tilespmem:v59+s12+$0x0], $0xffff  }
0x6a: {  	v60 =	vor.u32 v3, v8;
	_ =	sdelay $0x3  }
0x6b: {  	[tilespmem:s31+$0xFFFFFFE0] =	vst v9  }
0x6c: {  	v9 =	vld.idx.msk [tilespmem:v60+s12+$0x0], $0xffff  }
0x6d: {  	v61 =	vor.u32 v4, v8;
	_ =	sdelay $0x3  }
0x6e: {  	[tilespmem:s31+$0xFFFFFFF0] =	vst v9  }
0x6f: {  	v9 =	vld.idx.msk [tilespmem:v61+s12+$0x0], $0xffff  }
0x70: {  	v62 =	vor.u32 v5, v8;
	_ =	sdelay $0x3  }
0x71: {  	[tilespmem:s31+$0x0] =	vst v9  }
0x72: {  	v9 =	vld.idx.msk [tilespmem:v62+s12+$0x0], $0xffff  }
0x73: {  	v63 =	vor.u32 v6, v8;
	_ =	sdelay $0x3  }
0x74: {  	[tilespmem:s31+$0x10] =	vst v9  }
0x75: {  	v9 =	vld.idx.msk [tilespmem:v63+s12+$0x0], $0xffff  }
0x76: {  	v8 =	vor.u32 v7, v8;
	_ =	sdelay $0x3  }
0x77: {  	[tilespmem:s31+$0x20] =	vst v9  }
0x78: {  	v8 =	vld.idx.msk [tilespmem:v8+s12+$0x0], $0xffff;
	_ =	sdelay $0x4  }
0x79: {  	[tilespmem:s31+$0x30] =	vst v8  }
0x7a: {  	[hbm4b:s4+s2] =	stream.linear.scatter [tilespmem:s19], [sflag:$0x2], $0x1000, $0x38;
	[tilespmem:$0x8200] =	vst v63  }
0x7b: {  	_ = 	snop  }
0x7c: {  	[hbm4b:s6+s2] =	stream.linear.scatter [tilespmem:s20], [sflag:$0x2], $0x1000, $0x38;
	[tilespmem:$0x8200] =	vst v63  }
0x7d: {  	_ = 	snop  }
0x7e: {  	[hbm4b:s7+s2] =	stream.linear.scatter [tilespmem:s21], [sflag:$0x2], $0x1000, $0x38;
	[tilespmem:$0x8200] =	vst v63  }
0x7f: {  	_ = 	snop  }
0x80: {  	[hbm4b:s8+s2] =	stream.linear.scatter [tilespmem:s22], [sflag:$0x2], $0x1000, $0x38;
	[tilespmem:$0x8200] =	vst v63  }
0x81: {  	_ =	swait.ge [sflag:s23], $0x1000  }
0x82: {  	[sflag:s23] =	ssyncset.done $0x0  }
0x83: {  	[sflag:s23] =	ssyncadd.s32 $0xFFFFF000  }
0x84: {  	_ =	swait.ge [sflag:s23], $0x1000  }
0x85: {  	[sflag:s23] =	ssyncset.done $0x0  }
0x86: {  	s24 =	sadd.s32 $0x1, s24;
	[sflag:s23] =	ssyncadd.s32 $0xFFFFF000  }
0x87: {  	p0 =	sne.s32 s24, s9;
	_ =	swait.ge [sflag:s23], $0x1000  }
.Ltmp1:
0x88: {  	[sflag:s23] =	ssyncset.done $0x0;
	(pc) =	sbr.rel @p0 .LBB2_1-.Ltmp1, $4  }
0x89: {  	[sflag:s23] =	ssyncadd.s32 $0xFFFFF000  }
0x8a: {  	_ =	swait.ge [sflag:s23], $0x1000  }
0x8b: {  	[sflag:s23] =	ssyncset.done $0x0  }
0x8c: {  	[sflag:s23] =	ssyncadd.s32 $0xFFFFF000  }
0x8d: {  	_ =	sfence.sel $0x180000  }
0x8e: {  	[bflag:$0x0] =	sbarrier.arrive $0xFFFF  }
0x8f: {  	p0 =	sne.s32 s1, $0x0;
	_ =	strace $0x90000047  }
0x90: {  	s0 =	sadd.s32 @!p0 $0x100000, s0;
	[bflag:$0x2] =	sbarrier.arrive $0xFFFF  }
0x91: {  	[sflag:s0] =	ssyncadd.tile.s32 @!p0 $0x1;
	_ =	shalt  }
.Lfunc_end2:
_tile_overlayer_lowered:
.L_overlay_start_2:
0x92: {  	(tag) =	ssettag $0x2  }
0x93: {  	s0 =	rddreg [dreg:$0x0];
	s2 =	stileid.u32  }
0x94: {  	s1 =	rddreg [dreg:$0x1];
	p0 =	sne.s32 s2, $0x0  }
0x95: {  	s3 =	rddreg [dreg:$0x2];
	[bflag:$0x3] =	sbarrier.arrive $0xFFFF;
	s2 =	simm.s32 @!p0 $0x1C03  }
0x96: {  	[timem:s3], [sflag:s2] =	dma.local @!p0 [hbm:s0], s1  }
0x97: {  	s0 =	simm.s32 @!p0 $0x3  }
0x98: {  	_ =	swait.ge @!p0 [sflag:s0], s1  }
0x99: {  	s1 =	ssub.s32 @!p0 $0x0, s1;
	[sflag:s0] =	ssyncset.done @!p0 $0x0  }
0x9a: {  	[sflag:s0] =	ssyncadd.s32 @!p0 s1  }
0x9b: {  	[bflag:$0x3] =	sbarrier.arrive $0xFFFF  }
0x9c: {  	_ =	shalt  }

</sc_bundles>
